<compile_context>
chip_gen: v7x
topology: tpu7x:2x2x1
jax: 0.10.2.dev20260603
libtpu: 0.0.44.dev20260713+nightly
codegen_flags: <defaults>
</compile_context>

<pallas_src>
import functools

import jax
import jax.numpy as jnp
from jax import lax
from jax.experimental import pallas as pl
from jax.experimental.pallas import tpu as pltpu
from jax.experimental.pallas import tpu_sc as plsc

B = 16384
NF = 26
FD = 1000

_info = plsc.get_sparse_core_info()
NC = _info.num_cores
NS = _info.num_subcores
L = _info.num_lanes
NW = NC * NS
BPW = B // NW

_mesh = plsc.VectorSubcoreMesh(core_axis_name="c", subcore_axis_name="s")


@functools.partial(
    pl.kernel,
    mesh=_mesh,
    out_type=jax.ShapeDtypeStruct((B,), jnp.float32),
    scratch_types=[
        pltpu.VMEM((NF * FD,), jnp.float32),
        pltpu.VMEM((NF * BPW,), jnp.int32),
        pltpu.VMEM((BPW,), jnp.float32),
        pltpu.VMEM((1,), jnp.float32),
        pltpu.SemaphoreType.DMA,
        pltpu.SemaphoreType.DMA,
        pltpu.SemaphoreType.DMA,
    ],
    compiler_params=pltpu.CompilerParams(needs_layout_passes=False),
)
def _fl_kernel(x_hbm, w_hbm, bias_hbm, out_hbm, w_v, x_v, out_v, bias_v,
               sem_x, sem_w, sem_b):
    wid = lax.axis_index("s") * NC + lax.axis_index("c")
    base = wid * BPW
    cx = pltpu.async_copy(x_hbm.at[pl.ds(wid * NF * BPW, NF * BPW)], x_v, sem_x)
    cw = pltpu.async_copy(w_hbm, w_v, sem_w)
    cb = pltpu.async_copy(bias_hbm, bias_v, sem_b)
    cx.wait()
    cw.wait()
    cb.wait()
    bias_vec = plsc.load_gather(bias_v, [jnp.zeros((L,), jnp.int32)])
    zero = jnp.zeros((L,), jnp.float32)

    @plsc.parallel_loop(0, BPW // L, unroll=1)
    def body(j):
        rowbase = j * L
        accs = [bias_vec, zero, zero, zero]
        for f in range(NF):
            xs = x_v[pl.ds(f * BPW + rowbase, L)]
            accs[f % 4] = accs[f % 4] + plsc.load_gather(w_v, [xs + f * FD])
        out_v[pl.ds(rowbase, L)] = (accs[0] + accs[1]) + (accs[2] + accs[3])

    pltpu.sync_copy(out_v, out_hbm.at[pl.ds(base, BPW)])


def kernel(x, offsets, weight, bias):
    xt = x.astype(jnp.int32).reshape(NW, BPW, NF).transpose(0, 2, 1)
    xf = xt.reshape(-1)
    wf = weight.astype(jnp.float32).reshape(-1)
    out = _fl_kernel(xf, wf, bias.astype(jnp.float32))
    return out.reshape(B, 1)

# --- scband reference (transcript-rebuilt; emitter-appended) ---
"""Pipeline reference for scband-features-linear-17368847745102 (READ-ONLY COPY).

The authoritative reference and input builder live on the scoring server;
editing this copy changes nothing except your own understanding.
"""

import jax, jax.numpy as jnp
import numpy as np

B = 16384
N_FIELDS = 26
FIELD_DIM = 1000
TOTAL_FIELD_DIMS = N_FIELDS * FIELD_DIM
OUTPUT_DIM = 1


def setup_inputs(seed: int = 0) -> dict:
    key = jax.random.key(seed)
    k_x, k_w = jax.random.split(key)
    x = jax.random.randint(k_x, (B, N_FIELDS), 0, FIELD_DIM, dtype=jnp.int64) if jax.config.jax_enable_x64 else jax.random.randint(k_x, (B, N_FIELDS), 0, FIELD_DIM, dtype=jnp.int32)
    offsets = jnp.arange(N_FIELDS, dtype=x.dtype) * FIELD_DIM
    # xavier_uniform for embedding weight of shape [TOTAL_FIELD_DIMS, OUTPUT_DIM]
    limit = float(np.sqrt(6.0 / (TOTAL_FIELD_DIMS + OUTPUT_DIM)))
    weight = jax.random.uniform(k_w, (TOTAL_FIELD_DIMS, OUTPUT_DIM), dtype=jnp.float32, minval=-limit, maxval=limit)
    bias = jnp.zeros((OUTPUT_DIM,), dtype=jnp.float32)
    return {"x": x, "offsets": offsets, "weight": weight, "bias": bias}


def reference(x, offsets, weight, bias):
    # x: int[B, N_FIELDS]; add per-field offsets, lookup, sum over fields, add bias
    idx = x + offsets[None, :]                      # [B, N_FIELDS]
    emb = jnp.take(weight, idx, axis=0)             # [B, N_FIELDS, OUTPUT_DIM] (gather)
    out = jnp.sum(emb, axis=1) + bias               # [B, OUTPUT_DIM]
    return out

if __name__ == "__main__":
    import jax
    _d = setup_inputs()
    print(jax.jit(kernel)(*tuple(_d.values())))

</pallas_src>

<mosaic_0001>
#map = affine_map<(d0, d1) -> (0)>
module attributes {stable_mosaic.version = 14 : i64} {
  func.func @_fl_kernel(%arg0: i32, %arg1: i32, %arg2: memref<425984xi32, #tpu.memory_space<hbm>>, %arg3: memref<26000xf32, #tpu.memory_space<hbm>>, %arg4: memref<1xf32, #tpu.memory_space<hbm>>, %arg5: memref<16384xf32, #tpu.memory_space<hbm>>, %arg6: memref<26000xf32, #tpu.memory_space<vmem>>, %arg7: memref<13312xi32, #tpu.memory_space<vmem>>, %arg8: memref<512xf32, #tpu.memory_space<vmem>>, %arg9: memref<1xf32, #tpu.memory_space<vmem>>, %arg10: memref<!tpu.dma_semaphore, #tpu.memory_space<semaphore_mem>>, %arg11: memref<!tpu.dma_semaphore, #tpu.memory_space<semaphore_mem>>, %arg12: memref<!tpu.dma_semaphore, #tpu.memory_space<semaphore_mem>>) attributes {dimension_semantics = [#tpu.dimension_semantics<core_parallel>, #tpu.dimension_semantics<subcore_parallel>], iteration_bounds = array<i64: 2, 16>, scalar_prefetch = 0 : i64, scratch_operands = 7 : i64, tpu.core_type = #tpu.core_type<sc_vector_subcore>, window_params = [{transform_indices = #map}, {transform_indices = #map}, {transform_indices = #map}, {transform_indices = #map}]} {
    %mul3A = arith.constant 2 : i32
    %mul3A_0 = arith.muli %arg1, %mul3A : i32
    %add3A = arith.addi %mul3A_0, %arg0 : i32
    %mul3A_1 = arith.constant 512 : i32
    %mul3A_2 = arith.muli %add3A, %mul3A_1 : i32
    %mul3A_3 = arith.constant 26 : i32
    %mul3A_4 = arith.muli %add3A, %mul3A_3 : i32
    %mul3A_5 = arith.constant 512 : i32
    %mul3A_6 = arith.muli %mul3A_4, %mul3A_5 : i32
    %dma_start3A = tpu.memref_slice %arg2[%mul3A_6] : memref<425984xi32, #tpu.memory_space<hbm>> -> memref<13312xi32, #tpu.memory_space<hbm>>
    %dma_start3A_7 = tpu.memref_slice %arg2[%mul3A_6] : memref<425984xi32, #tpu.memory_space<hbm>> -> memref<13312xi32, #tpu.memory_space<hbm>>
    tpu.enqueue_dma source(%dma_start3A_7 : memref<13312xi32, #tpu.memory_space<hbm>>) target(%arg7 : memref<13312xi32, #tpu.memory_space<vmem>>) target_semaphore(%arg10 : memref<!tpu.dma_semaphore, #tpu.memory_space<semaphore_mem>>)
    tpu.enqueue_dma source(%arg3 : memref<26000xf32, #tpu.memory_space<hbm>>) target(%arg6 : memref<26000xf32, #tpu.memory_space<vmem>>) target_semaphore(%arg11 : memref<!tpu.dma_semaphore, #tpu.memory_space<semaphore_mem>>)
    tpu.enqueue_dma source(%arg4 : memref<1xf32, #tpu.memory_space<hbm>>) target(%arg9 : memref<1xf32, #tpu.memory_space<vmem>>) target_semaphore(%arg12 : memref<!tpu.dma_semaphore, #tpu.memory_space<semaphore_mem>>)
    %dma_wait3A = tpu.memref_slice %arg2[%mul3A_6] : memref<425984xi32, #tpu.memory_space<hbm>> -> memref<13312xi32, #tpu.memory_space<hbm>>
    %dma_wait3A_8 = tpu.memref_slice %arg2[%mul3A_6] : memref<425984xi32, #tpu.memory_space<hbm>> -> memref<13312xi32, #tpu.memory_space<hbm>>
    tpu.wait_dma2 semaphore(%arg10 : memref<!tpu.dma_semaphore, #tpu.memory_space<semaphore_mem>>) src(%dma_wait3A_8 : memref<13312xi32, #tpu.memory_space<hbm>>) dst(%arg7 : memref<13312xi32, #tpu.memory_space<vmem>>)
    tpu.wait_dma2 semaphore(%arg11 : memref<!tpu.dma_semaphore, #tpu.memory_space<semaphore_mem>>) src(%arg3 : memref<26000xf32, #tpu.memory_space<hbm>>) dst(%arg6 : memref<26000xf32, #tpu.memory_space<vmem>>)
    tpu.wait_dma2 semaphore(%arg12 : memref<!tpu.dma_semaphore, #tpu.memory_space<semaphore_mem>>) src(%arg4 : memref<1xf32, #tpu.memory_space<hbm>>) dst(%arg9 : memref<1xf32, #tpu.memory_space<vmem>>)
    %broadcast_in_dim3A = arith.constant 0 : i32
    %broadcast_in_dim3A_9 = vector.broadcast %broadcast_in_dim3A : i32 to vector<16xi32>
    %gather3A = tpu.vector_load_idx %arg9[%broadcast_in_dim3A_9] : memref<1xf32, #tpu.memory_space<vmem>>[vector<16xi32>], vector<16xf32>,
    %broadcast_in_dim3A_10 = arith.constant 0.000000e+00 : f32
    %broadcast_in_dim3A_11 = vector.broadcast %broadcast_in_dim3A_10 : f32 to vector<16xf32>
    %parallel_loop3A = arith.constant 0 : i32
    %parallel_loop3A_12 = arith.constant 32 : i32
    %parallel_loop3A_13 = arith.constant 1 : i32
    scf.for %parallel_loop3A_14 = %parallel_loop3A to %parallel_loop3A_12 step %parallel_loop3A_13  : i32 {
      %parallel_loop3A_15 = arith.constant 16 : i32
      %parallel_loop3A_16 = arith.muli %parallel_loop3A_14, %parallel_loop3A_15 : i32
      %parallel_loop3A_17 = arith.constant 0 : i32
      %parallel_loop3A_18 = arith.addi %parallel_loop3A_17, %parallel_loop3A_16 : i32
      %parallel_loop3A_19 = arith.index_cast %parallel_loop3A_18 : i32 to index
      %parallel_loop3A_20 = tpu.vector_load %arg7[%parallel_loop3A_19] {strides = array<i32>} : memref<13312xi32, #tpu.memory_space<vmem>>, vector<16xi32>,
      %parallel_loop3A_21 = arith.constant 0 : i32
      %parallel_loop3A_22 = vector.broadcast %parallel_loop3A_21 : i32 to vector<16xi32>
      %parallel_loop3A_23 = arith.addi %parallel_loop3A_20, %parallel_loop3A_22 : vector<16xi32>
      %parallel_loop3A_24 = tpu.vector_load_idx %arg6[%parallel_loop3A_23] : memref<26000xf32, #tpu.memory_space<vmem>>[vector<16xi32>], vector<16xf32>,
      %parallel_loop3A_25 = arith.addf %gather3A, %parallel_loop3A_24 : vector<16xf32>
      %parallel_loop3A_26 = arith.constant 512 : i32
      %parallel_loop3A_27 = arith.addi %parallel_loop3A_26, %parallel_loop3A_16 : i32
      %parallel_loop3A_28 = arith.index_cast %parallel_loop3A_27 : i32 to index
      %parallel_loop3A_29 = tpu.vector_load %arg7[%parallel_loop3A_28] {strides = array<i32>} : memref<13312xi32, #tpu.memory_space<vmem>>, vector<16xi32>,
      %parallel_loop3A_30 = arith.constant 1000 : i32
      %parallel_loop3A_31 = vector.broadcast %parallel_loop3A_30 : i32 to vector<16xi32>
      %parallel_loop3A_32 = arith.addi %parallel_loop3A_29, %parallel_loop3A_31 : vector<16xi32>
      %parallel_loop3A_33 = tpu.vector_load_idx %arg6[%parallel_loop3A_32] : memref<26000xf32, #tpu.memory_space<vmem>>[vector<16xi32>], vector<16xf32>,
      %parallel_loop3A_34 = arith.addf %broadcast_in_dim3A_11, %parallel_loop3A_33 : vector<16xf32>
      %parallel_loop3A_35 = arith.constant 1024 : i32
      %parallel_loop3A_36 = arith.addi %parallel_loop3A_35, %parallel_loop3A_16 : i32
      %parallel_loop3A_37 = arith.index_cast %parallel_loop3A_36 : i32 to index
      %parallel_loop3A_38 = tpu.vector_load %arg7[%parallel_loop3A_37] {strides = array<i32>} : memref<13312xi32, #tpu.memory_space<vmem>>, vector<16xi32>,
      %parallel_loop3A_39 = arith.constant 2000 : i32
      %parallel_loop3A_40 = vector.broadcast %parallel_loop3A_39 : i32 to vector<16xi32>
      %parallel_loop3A_41 = arith.addi %parallel_loop3A_38, %parallel_loop3A_40 : vector<16xi32>
      %parallel_loop3A_42 = tpu.vector_load_idx %arg6[%parallel_loop3A_41] : memref<26000xf32, #tpu.memory_space<vmem>>[vector<16xi32>], vector<16xf32>,
      %parallel_loop3A_43 = arith.addf %broadcast_in_dim3A_11, %parallel_loop3A_42 : vector<16xf32>
      %parallel_loop3A_44 = arith.constant 1536 : i32
      %parallel_loop3A_45 = arith.addi %parallel_loop3A_44, %parallel_loop3A_16 : i32
      %parallel_loop3A_46 = arith.index_cast %parallel_loop3A_45 : i32 to index
      %parallel_loop3A_47 = tpu.vector_load %arg7[%parallel_loop3A_46] {strides = array<i32>} : memref<13312xi32, #tpu.memory_space<vmem>>, vector<16xi32>,
      %parallel_loop3A_48 = arith.constant 3000 : i32
      %parallel_loop3A_49 = vector.broadcast %parallel_loop3A_48 : i32 to vector<16xi32>
      %parallel_loop3A_50 = arith.addi %parallel_loop3A_47, %parallel_loop3A_49 : vector<16xi32>
      %parallel_loop3A_51 = tpu.vector_load_idx %arg6[%parallel_loop3A_50] : memref<26000xf32, #tpu.memory_space<vmem>>[vector<16xi32>], vector<16xf32>,
      %parallel_loop3A_52 = arith.addf %broadcast_in_dim3A_11, %parallel_loop3A_51 : vector<16xf32>
      %parallel_loop3A_53 = arith.constant 2048 : i32
      %parallel_loop3A_54 = arith.addi %parallel_loop3A_53, %parallel_loop3A_16 : i32
      %parallel_loop3A_55 = arith.index_cast %parallel_loop3A_54 : i32 to index
      %parallel_loop3A_56 = tpu.vector_load %arg7[%parallel_loop3A_55] {strides = array<i32>} : memref<13312xi32, #tpu.memory_space<vmem>>, vector<16xi32>,
      %parallel_loop3A_57 = arith.constant 4000 : i32
      %parallel_loop3A_58 = vector.broadcast %parallel_loop3A_57 : i32 to vector<16xi32>
      %parallel_loop3A_59 = arith.addi %parallel_loop3A_56, %parallel_loop3A_58 : vector<16xi32>
      %parallel_loop3A_60 = tpu.vector_load_idx %arg6[%parallel_loop3A_59] : memref<26000xf32, #tpu.memory_space<vmem>>[vector<16xi32>], vector<16xf32>,
      %parallel_loop3A_61 = arith.addf %parallel_loop3A_25, %parallel_loop3A_60 : vector<16xf32>
      %parallel_loop3A_62 = arith.constant 2560 : i32
      %parallel_loop3A_63 = arith.addi %parallel_loop3A_62, %parallel_loop3A_16 : i32
      %parallel_loop3A_64 = arith.index_cast %parallel_loop3A_63 : i32 to index
      %parallel_loop3A_65 = tpu.vector_load %arg7[%parallel_loop3A_64] {strides = array<i32>} : memref<13312xi32, #tpu.memory_space<vmem>>, vector<16xi32>,
      %parallel_loop3A_66 = arith.constant 5000 : i32
      %parallel_loop3A_67 = vector.broadcast %parallel_loop3A_66 : i32 to vector<16xi32>
      %parallel_loop3A_68 = arith.addi %parallel_loop3A_65, %parallel_loop3A_67 : vector<16xi32>
      %parallel_loop3A_69 = tpu.vector_load_idx %arg6[%parallel_loop3A_68] : memref<26000xf32, #tpu.memory_space<vmem>>[vector<16xi32>], vector<16xf32>,
      %parallel_loop3A_70 = arith.addf %parallel_loop3A_34, %parallel_loop3A_69 : vector<16xf32>
      %parallel_loop3A_71 = arith.constant 3072 : i32
      %parallel_loop3A_72 = arith.addi %parallel_loop3A_71, %parallel_loop3A_16 : i32
      %parallel_loop3A_73 = arith.index_cast %parallel_loop3A_72 : i32 to index
      %parallel_loop3A_74 = tpu.vector_load %arg7[%parallel_loop3A_73] {strides = array<i32>} : memref<13312xi32, #tpu.memory_space<vmem>>, vector<16xi32>,
      %parallel_loop3A_75 = arith.constant 6000 : i32
      %parallel_loop3A_76 = vector.broadcast %parallel_loop3A_75 : i32 to vector<16xi32>
      %parallel_loop3A_77 = arith.addi %parallel_loop3A_74, %parallel_loop3A_76 : vector<16xi32>
      %parallel_loop3A_78 = tpu.vector_load_idx %arg6[%parallel_loop3A_77] : memref<26000xf32, #tpu.memory_space<vmem>>[vector<16xi32>], vector<16xf32>,
      %parallel_loop3A_79 = arith.addf %parallel_loop3A_43, %parallel_loop3A_78 : vector<16xf32>
      %parallel_loop3A_80 = arith.constant 3584 : i32
      %parallel_loop3A_81 = arith.addi %parallel_loop3A_80, %parallel_loop3A_16 : i32
      %parallel_loop3A_82 = arith.index_cast %parallel_loop3A_81 : i32 to index
      %parallel_loop3A_83 = tpu.vector_load %arg7[%parallel_loop3A_82] {strides = array<i32>} : memref<13312xi32, #tpu.memory_space<vmem>>, vector<16xi32>,
      %parallel_loop3A_84 = arith.constant 7000 : i32
      %parallel_loop3A_85 = vector.broadcast %parallel_loop3A_84 : i32 to vector<16xi32>
      %parallel_loop3A_86 = arith.addi %parallel_loop3A_83, %parallel_loop3A_85 : vector<16xi32>
      %parallel_loop3A_87 = tpu.vector_load_idx %arg6[%parallel_loop3A_86] : memref<26000xf32, #tpu.memory_space<vmem>>[vector<16xi32>], vector<16xf32>,
      %parallel_loop3A_88 = arith.addf %parallel_loop3A_52, %parallel_loop3A_87 : vector<16xf32>
      %parallel_loop3A_89 = arith.constant 4096 : i32
      %parallel_loop3A_90 = arith.addi %parallel_loop3A_89, %parallel_loop3A_16 : i32
      %parallel_loop3A_91 = arith.index_cast %parallel_loop3A_90 : i32 to index
      %parallel_loop3A_92 = tpu.vector_load %arg7[%parallel_loop3A_91] {strides = array<i32>} : memref<13312xi32, #tpu.memory_space<vmem>>, vector<16xi32>,
      %parallel_loop3A_93 = arith.constant 8000 : i32
      %parallel_loop3A_94 = vector.broadcast %parallel_loop3A_93 : i32 to vector<16xi32>
      %parallel_loop3A_95 = arith.addi %parallel_loop3A_92, %parallel_loop3A_94 : vector<16xi32>
      %parallel_loop3A_96 = tpu.vector_load_idx %arg6[%parallel_loop3A_95] : memref<26000xf32, #tpu.memory_space<vmem>>[vector<16xi32>], vector<16xf32>,
      %parallel_loop3A_97 = arith.addf %parallel_loop3A_61, %parallel_loop3A_96 : vector<16xf32>
      %parallel_loop3A_98 = arith.constant 4608 : i32
      %parallel_loop3A_99 = arith.addi %parallel_loop3A_98, %parallel_loop3A_16 : i32
      %parallel_loop3A_100 = arith.index_cast %parallel_loop3A_99 : i32 to index
      %parallel_loop3A_101 = tpu.vector_load %arg7[%parallel_loop3A_100] {strides = array<i32>} : memref<13312xi32, #tpu.memory_space<vmem>>, vector<16xi32>,
      %parallel_loop3A_102 = arith.constant 9000 : i32
      %parallel_loop3A_103 = vector.broadcast %parallel_loop3A_102 : i32 to vector<16xi32>
      %parallel_loop3A_104 = arith.addi %parallel_loop3A_101, %parallel_loop3A_103 : vector<16xi32>
      %parallel_loop3A_105 = tpu.vector_load_idx %arg6[%parallel_loop3A_104] : memref<26000xf32, #tpu.memory_space<vmem>>[vector<16xi32>], vector<16xf32>,
      %parallel_loop3A_106 = arith.addf %parallel_loop3A_70, %parallel_loop3A_105 : vector<16xf32>
      %parallel_loop3A_107 = arith.constant 5120 : i32
      %parallel_loop3A_108 = arith.addi %parallel_loop3A_107, %parallel_loop3A_16 : i32
      %parallel_loop3A_109 = arith.index_cast %parallel_loop3A_108 : i32 to index
      %parallel_loop3A_110 = tpu.vector_load %arg7[%parallel_loop3A_109] {strides = array<i32>} : memref<13312xi32, #tpu.memory_space<vmem>>, vector<16xi32>,
      %parallel_loop3A_111 = arith.constant 10000 : i32
      %parallel_loop3A_112 = vector.broadcast %parallel_loop3A_111 : i32 to vector<16xi32>
      %parallel_loop3A_113 = arith.addi %parallel_loop3A_110, %parallel_loop3A_112 : vector<16xi32>
      %parallel_loop3A_114 = tpu.vector_load_idx %arg6[%parallel_loop3A_113] : memref<26000xf32, #tpu.memory_space<vmem>>[vector<16xi32>], vector<16xf32>,
      %parallel_loop3A_115 = arith.addf %parallel_loop3A_79, %parallel_loop3A_114 : vector<16xf32>
      %parallel_loop3A_116 = arith.constant 5632 : i32
      %parallel_loop3A_117 = arith.addi %parallel_loop3A_116, %parallel_loop3A_16 : i32
      %parallel_loop3A_118 = arith.index_cast %parallel_loop3A_117 : i32 to index
      %parallel_loop3A_119 = tpu.vector_load %arg7[%parallel_loop3A_118] {strides = array<i32>} : memref<13312xi32, #tpu.memory_space<vmem>>, vector<16xi32>,
      %parallel_loop3A_120 = arith.constant 11000 : i32
      %parallel_loop3A_121 = vector.broadcast %parallel_loop3A_120 : i32 to vector<16xi32>
      %parallel_loop3A_122 = arith.addi %parallel_loop3A_119, %parallel_loop3A_121 : vector<16xi32>
      %parallel_loop3A_123 = tpu.vector_load_idx %arg6[%parallel_loop3A_122] : memref<26000xf32, #tpu.memory_space<vmem>>[vector<16xi32>], vector<16xf32>,
      %parallel_loop3A_124 = arith.addf %parallel_loop3A_88, %parallel_loop3A_123 : vector<16xf32>
      %parallel_loop3A_125 = arith.constant 6144 : i32
      %parallel_loop3A_126 = arith.addi %parallel_loop3A_125, %parallel_loop3A_16 : i32
      %parallel_loop3A_127 = arith.index_cast %parallel_loop3A_126 : i32 to index
      %parallel_loop3A_128 = tpu.vector_load %arg7[%parallel_loop3A_127] {strides = array<i32>} : memref<13312xi32, #tpu.memory_space<vmem>>, vector<16xi32>,
      %parallel_loop3A_129 = arith.constant 12000 : i32
      %parallel_loop3A_130 = vector.broadcast %parallel_loop3A_129 : i32 to vector<16xi32>
      %parallel_loop3A_131 = arith.addi %parallel_loop3A_128, %parallel_loop3A_130 : vector<16xi32>
      %parallel_loop3A_132 = tpu.vector_load_idx %arg6[%parallel_loop3A_131] : memref<26000xf32, #tpu.memory_space<vmem>>[vector<16xi32>], vector<16xf32>,
      %parallel_loop3A_133 = arith.addf %parallel_loop3A_97, %parallel_loop3A_132 : vector<16xf32>
      %parallel_loop3A_134 = arith.constant 6656 : i32
      %parallel_loop3A_135 = arith.addi %parallel_loop3A_134, %parallel_loop3A_16 : i32
      %parallel_loop3A_136 = arith.index_cast %parallel_loop3A_135 : i32 to index
      %parallel_loop3A_137 = tpu.vector_load %arg7[%parallel_loop3A_136] {strides = array<i32>} : memref<13312xi32, #tpu.memory_space<vmem>>, vector<16xi32>,
      %parallel_loop3A_138 = arith.constant 13000 : i32
      %parallel_loop3A_139 = vector.broadcast %parallel_loop3A_138 : i32 to vector<16xi32>
      %parallel_loop3A_140 = arith.addi %parallel_loop3A_137, %parallel_loop3A_139 : vector<16xi32>
      %parallel_loop3A_141 = tpu.vector_load_idx %arg6[%parallel_loop3A_140] : memref<26000xf32, #tpu.memory_space<vmem>>[vector<16xi32>], vector<16xf32>,
      %parallel_loop3A_142 = arith.addf %parallel_loop3A_106, %parallel_loop3A_141 : vector<16xf32>
      %parallel_loop3A_143 = arith.constant 7168 : i32
      %parallel_loop3A_144 = arith.addi %parallel_loop3A_143, %parallel_loop3A_16 : i32
      %parallel_loop3A_145 = arith.index_cast %parallel_loop3A_144 : i32 to index
      %parallel_loop3A_146 = tpu.vector_load %arg7[%parallel_loop3A_145] {strides = array<i32>} : memref<13312xi32, #tpu.memory_space<vmem>>, vector<16xi32>,
      %parallel_loop3A_147 = arith.constant 14000 : i32
      %parallel_loop3A_148 = vector.broadcast %parallel_loop3A_147 : i32 to vector<16xi32>
      %parallel_loop3A_149 = arith.addi %parallel_loop3A_146, %parallel_loop3A_148 : vector<16xi32>
      %parallel_loop3A_150 = tpu.vector_load_idx %arg6[%parallel_loop3A_149] : memref<26000xf32, #tpu.memory_space<vmem>>[vector<16xi32>], vector<16xf32>,
      %parallel_loop3A_151 = arith.addf %parallel_loop3A_115, %parallel_loop3A_150 : vector<16xf32>
      %parallel_loop3A_152 = arith.constant 7680 : i32
      %parallel_loop3A_153 = arith.addi %parallel_loop3A_152, %parallel_loop3A_16 : i32
      %parallel_loop3A_154 = arith.index_cast %parallel_loop3A_153 : i32 to index
      %parallel_loop3A_155 = tpu.vector_load %arg7[%parallel_loop3A_154] {strides = array<i32>} : memref<13312xi32, #tpu.memory_space<vmem>>, vector<16xi32>,
      %parallel_loop3A_156 = arith.constant 15000 : i32
      %parallel_loop3A_157 = vector.broadcast %parallel_loop3A_156 : i32 to vector<16xi32>
      %parallel_loop3A_158 = arith.addi %parallel_loop3A_155, %parallel_loop3A_157 : vector<16xi32>
      %parallel_loop3A_159 = tpu.vector_load_idx %arg6[%parallel_loop3A_158] : memref<26000xf32, #tpu.memory_space<vmem>>[vector<16xi32>], vector<16xf32>,
      %parallel_loop3A_160 = arith.addf %parallel_loop3A_124, %parallel_loop3A_159 : vector<16xf32>
      %parallel_loop3A_161 = arith.constant 8192 : i32
      %parallel_loop3A_162 = arith.addi %parallel_loop3A_161, %parallel_loop3A_16 : i32
      %parallel_loop3A_163 = arith.index_cast %parallel_loop3A_162 : i32 to index
      %parallel_loop3A_164 = tpu.vector_load %arg7[%parallel_loop3A_163] {strides = array<i32>} : memref<13312xi32, #tpu.memory_space<vmem>>, vector<16xi32>,
      %parallel_loop3A_165 = arith.constant 16000 : i32
      %parallel_loop3A_166 = vector.broadcast %parallel_loop3A_165 : i32 to vector<16xi32>
      %parallel_loop3A_167 = arith.addi %parallel_loop3A_164, %parallel_loop3A_166 : vector<16xi32>
      %parallel_loop3A_168 = tpu.vector_load_idx %arg6[%parallel_loop3A_167] : memref<26000xf32, #tpu.memory_space<vmem>>[vector<16xi32>], vector<16xf32>,
      %parallel_loop3A_169 = arith.addf %parallel_loop3A_133, %parallel_loop3A_168 : vector<16xf32>
      %parallel_loop3A_170 = arith.constant 8704 : i32
      %parallel_loop3A_171 = arith.addi %parallel_loop3A_170, %parallel_loop3A_16 : i32
      %parallel_loop3A_172 = arith.index_cast %parallel_loop3A_171 : i32 to index
      %parallel_loop3A_173 = tpu.vector_load %arg7[%parallel_loop3A_172] {strides = array<i32>} : memref<13312xi32, #tpu.memory_space<vmem>>, vector<16xi32>,
      %parallel_loop3A_174 = arith.constant 17000 : i32
      %parallel_loop3A_175 = vector.broadcast %parallel_loop3A_174 : i32 to vector<16xi32>
      %parallel_loop3A_176 = arith.addi %parallel_loop3A_173, %parallel_loop3A_175 : vector<16xi32>
      %parallel_loop3A_177 = tpu.vector_load_idx %arg6[%parallel_loop3A_176] : memref<26000xf32, #tpu.memory_space<vmem>>[vector<16xi32>], vector<16xf32>,
      %parallel_loop3A_178 = arith.addf %parallel_loop3A_142, %parallel_loop3A_177 : vector<16xf32>
      %parallel_loop3A_179 = arith.constant 9216 : i32
      %parallel_loop3A_180 = arith.addi %parallel_loop3A_179, %parallel_loop3A_16 : i32
      %parallel_loop3A_181 = arith.index_cast %parallel_loop3A_180 : i32 to index
      %parallel_loop3A_182 = tpu.vector_load %arg7[%parallel_loop3A_181] {strides = array<i32>} : memref<13312xi32, #tpu.memory_space<vmem>>, vector<16xi32>,
      %parallel_loop3A_183 = arith.constant 18000 : i32
      %parallel_loop3A_184 = vector.broadcast %parallel_loop3A_183 : i32 to vector<16xi32>
      %parallel_loop3A_185 = arith.addi %parallel_loop3A_182, %parallel_loop3A_184 : vector<16xi32>
      %parallel_loop3A_186 = tpu.vector_load_idx %arg6[%parallel_loop3A_185] : memref<26000xf32, #tpu.memory_space<vmem>>[vector<16xi32>], vector<16xf32>,
      %parallel_loop3A_187 = arith.addf %parallel_loop3A_151, %parallel_loop3A_186 : vector<16xf32>
      %parallel_loop3A_188 = arith.constant 9728 : i32
      %parallel_loop3A_189 = arith.addi %parallel_loop3A_188, %parallel_loop3A_16 : i32
      %parallel_loop3A_190 = arith.index_cast %parallel_loop3A_189 : i32 to index
      %parallel_loop3A_191 = tpu.vector_load %arg7[%parallel_loop3A_190] {strides = array<i32>} : memref<13312xi32, #tpu.memory_space<vmem>>, vector<16xi32>,
      %parallel_loop3A_192 = arith.constant 19000 : i32
      %parallel_loop3A_193 = vector.broadcast %parallel_loop3A_192 : i32 to vector<16xi32>
      %parallel_loop3A_194 = arith.addi %parallel_loop3A_191, %parallel_loop3A_193 : vector<16xi32>
      %parallel_loop3A_195 = tpu.vector_load_idx %arg6[%parallel_loop3A_194] : memref<26000xf32, #tpu.memory_space<vmem>>[vector<16xi32>], vector<16xf32>,
      %parallel_loop3A_196 = arith.addf %parallel_loop3A_160, %parallel_loop3A_195 : vector<16xf32>
      %parallel_loop3A_197 = arith.constant 10240 : i32
      %parallel_loop3A_198 = arith.addi %parallel_loop3A_197, %parallel_loop3A_16 : i32
      %parallel_loop3A_199 = arith.index_cast %parallel_loop3A_198 : i32 to index
      %parallel_loop3A_200 = tpu.vector_load %arg7[%parallel_loop3A_199] {strides = array<i32>} : memref<13312xi32, #tpu.memory_space<vmem>>, vector<16xi32>,
      %parallel_loop3A_201 = arith.constant 20000 : i32
      %parallel_loop3A_202 = vector.broadcast %parallel_loop3A_201 : i32 to vector<16xi32>
      %parallel_loop3A_203 = arith.addi %parallel_loop3A_200, %parallel_loop3A_202 : vector<16xi32>
      %parallel_loop3A_204 = tpu.vector_load_idx %arg6[%parallel_loop3A_203] : memref<26000xf32, #tpu.memory_space<vmem>>[vector<16xi32>], vector<16xf32>,
      %parallel_loop3A_205 = arith.addf %parallel_loop3A_169, %parallel_loop3A_204 : vector<16xf32>
      %parallel_loop3A_206 = arith.constant 10752 : i32
      %parallel_loop3A_207 = arith.addi %parallel_loop3A_206, %parallel_loop3A_16 : i32
      %parallel_loop3A_208 = arith.index_cast %parallel_loop3A_207 : i32 to index
      %parallel_loop3A_209 = tpu.vector_load %arg7[%parallel_loop3A_208] {strides = array<i32>} : memref<13312xi32, #tpu.memory_space<vmem>>, vector<16xi32>,
      %parallel_loop3A_210 = arith.constant 21000 : i32
      %parallel_loop3A_211 = vector.broadcast %parallel_loop3A_210 : i32 to vector<16xi32>
      %parallel_loop3A_212 = arith.addi %parallel_loop3A_209, %parallel_loop3A_211 : vector<16xi32>
      %parallel_loop3A_213 = tpu.vector_load_idx %arg6[%parallel_loop3A_212] : memref<26000xf32, #tpu.memory_space<vmem>>[vector<16xi32>], vector<16xf32>,
      %parallel_loop3A_214 = arith.addf %parallel_loop3A_178, %parallel_loop3A_213 : vector<16xf32>
      %parallel_loop3A_215 = arith.constant 11264 : i32
      %parallel_loop3A_216 = arith.addi %parallel_loop3A_215, %parallel_loop3A_16 : i32
      %parallel_loop3A_217 = arith.index_cast %parallel_loop3A_216 : i32 to index
      %parallel_loop3A_218 = tpu.vector_load %arg7[%parallel_loop3A_217] {strides = array<i32>} : memref<13312xi32, #tpu.memory_space<vmem>>, vector<16xi32>,
      %parallel_loop3A_219 = arith.constant 22000 : i32
      %parallel_loop3A_220 = vector.broadcast %parallel_loop3A_219 : i32 to vector<16xi32>
      %parallel_loop3A_221 = arith.addi %parallel_loop3A_218, %parallel_loop3A_220 : vector<16xi32>
      %parallel_loop3A_222 = tpu.vector_load_idx %arg6[%parallel_loop3A_221] : memref<26000xf32, #tpu.memory_space<vmem>>[vector<16xi32>], vector<16xf32>,
      %parallel_loop3A_223 = arith.addf %parallel_loop3A_187, %parallel_loop3A_222 : vector<16xf32>
      %parallel_loop3A_224 = arith.constant 11776 : i32
      %parallel_loop3A_225 = arith.addi %parallel_loop3A_224, %parallel_loop3A_16 : i32
      %parallel_loop3A_226 = arith.index_cast %parallel_loop3A_225 : i32 to index
      %parallel_loop3A_227 = tpu.vector_load %arg7[%parallel_loop3A_226] {strides = array<i32>} : memref<13312xi32, #tpu.memory_space<vmem>>, vector<16xi32>,
      %parallel_loop3A_228 = arith.constant 23000 : i32
      %parallel_loop3A_229 = vector.broadcast %parallel_loop3A_228 : i32 to vector<16xi32>
      %parallel_loop3A_230 = arith.addi %parallel_loop3A_227, %parallel_loop3A_229 : vector<16xi32>
      %parallel_loop3A_231 = tpu.vector_load_idx %arg6[%parallel_loop3A_230] : memref<26000xf32, #tpu.memory_space<vmem>>[vector<16xi32>], vector<16xf32>,
      %parallel_loop3A_232 = arith.addf %parallel_loop3A_196, %parallel_loop3A_231 : vector<16xf32>
      %parallel_loop3A_233 = arith.constant 12288 : i32
      %parallel_loop3A_234 = arith.addi %parallel_loop3A_233, %parallel_loop3A_16 : i32
      %parallel_loop3A_235 = arith.index_cast %parallel_loop3A_234 : i32 to index
      %parallel_loop3A_236 = tpu.vector_load %arg7[%parallel_loop3A_235] {strides = array<i32>} : memref<13312xi32, #tpu.memory_space<vmem>>, vector<16xi32>,
      %parallel_loop3A_237 = arith.constant 24000 : i32
      %parallel_loop3A_238 = vector.broadcast %parallel_loop3A_237 : i32 to vector<16xi32>
      %parallel_loop3A_239 = arith.addi %parallel_loop3A_236, %parallel_loop3A_238 : vector<16xi32>
      %parallel_loop3A_240 = tpu.vector_load_idx %arg6[%parallel_loop3A_239] : memref<26000xf32, #tpu.memory_space<vmem>>[vector<16xi32>], vector<16xf32>,
      %parallel_loop3A_241 = arith.addf %parallel_loop3A_205, %parallel_loop3A_240 : vector<16xf32>
      %parallel_loop3A_242 = arith.constant 12800 : i32
      %parallel_loop3A_243 = arith.addi %parallel_loop3A_242, %parallel_loop3A_16 : i32
      %parallel_loop3A_244 = arith.index_cast %parallel_loop3A_243 : i32 to index
      %parallel_loop3A_245 = tpu.vector_load %arg7[%parallel_loop3A_244] {strides = array<i32>} : memref<13312xi32, #tpu.memory_space<vmem>>, vector<16xi32>,
      %parallel_loop3A_246 = arith.constant 25000 : i32
      %parallel_loop3A_247 = vector.broadcast %parallel_loop3A_246 : i32 to vector<16xi32>
      %parallel_loop3A_248 = arith.addi %parallel_loop3A_245, %parallel_loop3A_247 : vector<16xi32>
      %parallel_loop3A_249 = tpu.vector_load_idx %arg6[%parallel_loop3A_248] : memref<26000xf32, #tpu.memory_space<vmem>>[vector<16xi32>], vector<16xf32>,
      %parallel_loop3A_250 = arith.addf %parallel_loop3A_214, %parallel_loop3A_249 : vector<16xf32>
      %parallel_loop3A_251 = arith.addf %parallel_loop3A_241, %parallel_loop3A_250 : vector<16xf32>
      %parallel_loop3A_252 = arith.addf %parallel_loop3A_223, %parallel_loop3A_232 : vector<16xf32>
      %parallel_loop3A_253 = arith.addf %parallel_loop3A_251, %parallel_loop3A_252 : vector<16xf32>
      %parallel_loop3A_254 = arith.index_cast %parallel_loop3A_16 : i32 to index
      %parallel_loop3A_255 = tpu.vector_load %arg8[%parallel_loop3A_254] {strides = array<i32>} : memref<512xf32, #tpu.memory_space<vmem>>, vector<16xf32>,
      tpu.vector_store %arg8[%parallel_loop3A_254], %parallel_loop3A_253 {strides = array<i32>} : memref<512xf32, #tpu.memory_space<vmem>>, vector<16xf32>,
    } {sc.loop_unroll_factor = 1 : i64, sc.parallel_access}
    "tpu.region"() ({
      %run_scoped3A = tpu.sem_alloc : memref<!tpu.dma_semaphore, #tpu.memory_space<semaphore_mem>>
      %dma_start3A_14 = tpu.memref_slice %arg5[%mul3A_2] : memref<16384xf32, #tpu.memory_space<hbm>> -> memref<512xf32, #tpu.memory_space<hbm>>
      %dma_start3A_15 = tpu.memref_slice %arg5[%mul3A_2] : memref<16384xf32, #tpu.memory_space<hbm>> -> memref<512xf32, #tpu.memory_space<hbm>>
      tpu.enqueue_dma source(%arg8 : memref<512xf32, #tpu.memory_space<vmem>>) target(%dma_start3A_15 : memref<512xf32, #tpu.memory_space<hbm>>) target_semaphore(%run_scoped3A : memref<!tpu.dma_semaphore, #tpu.memory_space<semaphore_mem>>)
      %dma_wait3A_16 = tpu.memref_slice %arg5[%mul3A_2] : memref<16384xf32, #tpu.memory_space<hbm>> -> memref<512xf32, #tpu.memory_space<hbm>>
      %dma_wait3A_17 = tpu.memref_slice %arg5[%mul3A_2] : memref<16384xf32, #tpu.memory_space<hbm>> -> memref<512xf32, #tpu.memory_space<hbm>>
      tpu.wait_dma2 semaphore(%run_scoped3A : memref<!tpu.dma_semaphore, #tpu.memory_space<semaphore_mem>>) src(%arg8 : memref<512xf32, #tpu.memory_space<vmem>>) dst(%dma_wait3A_17 : memref<512xf32, #tpu.memory_space<hbm>>)
      tpu.yield
    }) : () -> ()
    return
  }
}

</mosaic_0001>

<sc_bundles>
// kernel: kernel.3.cloned.1.call-start
scs
__scs_entry_jumppad:
0x0: {  	(pc) =	sbr.rel $0x88, $3  }
0x1: {  	(tag) =	ssettag $0x0;
	lr =	simm.s32 $0x1  }
0x2: {  	[smem:$0x3F9E] =	sst lr;
	_ =	strace $0xD0000000  }
0x3: {  	_ = 	snop  }
0x4: {  	_ = 	snop  }
0x5: {  	_ = 	snop  }
0x6: {  	_ = 	snop  }
0x7: {  	_ = 	snop  }
__scs_overlays_trampoline_lowered:
0x8: {  	[smem:$0x3FAD] =	sst s0  }
0x9: {  	[smem:$0x3FAE] =	sst s1  }
0xa: {  	[smem:$0x3FAF] =	sst s2  }
0xb: {  	[smem:$0x3FB0] =	sst s3  }
0xc: {  	[smem:$0x3FB1] =	sst s4  }
0xd: {  	[smem:$0x3FB2] =	sst s5  }
0xe: {  	[smem:$0x3FB3] =	sst s6  }
0xf: {  	[smem:$0x3FB4] =	sst s7  }
0x10: {  	[smem:$0x3FB5] =	sst s8  }
0x11: {  	[smem:$0x3FB6] =	sst s9;
	s0 =	simm.s32 @!p0 $0x0  }
0x12: {  	s1 =	sld [smem:$0x3F9C];
	s0 =	simm.s32 @p0 $0x1  }
0x13: {  	[smem:$0x3FB7] =	sst s0;
	s0 =	simm.s32 @!p1 $0x0  }
0x14: {  	s2 =	sld [smem:$0x3F9B];
	s0 =	simm.s32 @p1 $0x1  }
0x15: {  	[smem:$0x3FB8] =	sst s0;
	s0 =	simm.s32 @!p2 $0x0  }
0x16: {  	s3 =	sld [smem:$0x3FDB];
	s0 =	simm.s32 @p2 $0x1  }
0x17: {  	s4 =	simm.s32 $0x1BF5;
	[smem:$0x3FBA] =	sst s0  }
0x18: {  	s0 =	sld [smem:$0x3F9D];
	_ =	swait.ge [sflag:s4], $0x0  }
0x19: {  	s7 =	sld [smem:$0x3F9E]  }
0x1a: {  	s8 =	sadd.s32 $0xFFFFE003, lr  }
0x1b: {  	s9 =	sadd.s32 $0xFFFFFEF7, lr;
	s5 =	simm.s32 $0xFFFFFFFF;
	p2 =	slt.u32 s8, $0xFFFFF086  }
0x1c: {  	p1 =	slt.u32 s9, $0xF7A;
	s5 =	simm.s32 @!p2 $0x0  }
0x1d: {  	s5 =	simm.s32 @p1 $0x1;
	p0 =	seq.s32 s7, s2  }
0x1e: {  	s7 =	smul.u32 @!p0 $0xF7A, s2;
	p2 =	seq.s32 @!p0 s5, $0x0  }
0x1f: {  	s9 =	smul.u32 $0xF7A, s1;
	s8 =	simm.s32 @!p0 $0x1BF5;
	p2 =	por !p2, p0  }
0x20: {  	[sflag:s8] =	ssyncset.s32 @!p0 $0xFFFFF086;
	s6 =	sadd.s32 @!p0 s3, s7;
	s7 =	simm.s32 @!p0 $0x108  }
0x21: {  	s3 =	sadd.s32 s3, s9;
	s6 =	sadd.s32 @!p0 $0x88, s6;
	s7 =	simm.s32 @p2 $0x1082  }
0x22: {  	[simem:s7], [sflag:s8] =	dma.local @!p0 [hbm:s6], $0xF7A  }
0x23: {  	s9 =	sor.u32 $0xD0000000, s2;
	s6 =	simm.s32 $0x108;
	_ =	swait.ge @!p0 [sflag:s8], $0x0  }
0x24: {  	s3 =	sadd.s32 $0x88, s3;
	s6 =	simm.s32 @!p1 $0x1082;
	[sflag:s4] =	ssyncset.s32 $0xFFFFF086  }
0x25: {  	[simem:s6], [sflag:s4] =	dma.local [hbm:s3], $0xF7A  }
0x26: {  	[smem:$0x3F9E] =	sst s1;
	(tag) =	ssettag s2;
	_ =	strace s9  }
0x27: {  	s1 =	sld [smem:$0x3FAE]  }
0x28: {  	s2 =	sld [smem:$0x3FAF]  }
0x29: {  	s4 =	sld [smem:$0x3FB1]  }
0x2a: {  	p0 =	seq.s32 s5, $0x0;
	s5 =	sld [smem:$0x3FB2]  }
0x2b: {  	s6 =	sld [smem:$0x3FB3]  }
0x2c: {  	s7 =	sld [smem:$0x3FB4]  }
0x2d: {  	s3 =	simm.s32 $0x108;
	s8 =	sld [smem:$0x3FB5]  }
0x2e: {  	s3 =	simm.s32 @!p0 $0x1082;
	s9 =	sld [smem:$0x3FB6]  }
0x2f: {  	lr =	sadd.s32 s0, s3;
	s0 =	sld [smem:$0x3FAD]  }
0x30: {  	s3 =	sld [smem:$0x3FB0]  }
0x31: {  	[smem:$0x3FB9] =	sst s10  }
0x32: {  	s10 =	sld [smem:$0x3FB7];
	_ =	sdelay $0x3  }
0x33: {  	p0 =	seq.s32 s10, $0x1;
	s10 =	sld [smem:$0x3FB9];
	_ =	sdelay $0x3  }
0x34: {  	[smem:$0x3FB9] =	sst s10  }
0x35: {  	s10 =	sld [smem:$0x3FB8];
	_ =	sdelay $0x3  }
0x36: {  	p1 =	seq.s32 s10, $0x1;
	s10 =	sld [smem:$0x3FB9];
	_ =	sdelay $0x3  }
0x37: {  	[smem:$0x3FB9] =	sst s10  }
0x38: {  	s10 =	sld [smem:$0x3FBA]  }
0x39: {  	_ = 	snop;
	(pc) =	sbr.ind lr, $3  }
0x3a: {  	_ = 	snop  }
0x3b: {  	_ = 	snop  }
0x3c: {  	p2 =	seq.s32 s10, $0x1;
	s10 =	sld [smem:$0x3FB9]  }
0x3d: {  	_ =	shalt  }
0x3e: {  	_ =	shalt  }
0x3f: {  	_ =	shalt  }
0x40: {  	_ =	shalt  }
0x41: {  	_ =	shalt  }
0x42: {  	_ =	shalt  }
0x43: {  	_ =	shalt  }
0x44: {  	_ =	shalt  }
0x45: {  	_ =	shalt  }
0x46: {  	_ =	shalt  }
0x47: {  	_ =	shalt  }
0x48: {  	_ =	shalt  }
0x49: {  	_ =	shalt  }
0x4a: {  	_ =	shalt  }
0x4b: {  	_ =	shalt  }
0x4c: {  	_ =	shalt  }
0x4d: {  	_ =	shalt  }
0x4e: {  	_ =	shalt  }
0x4f: {  	_ =	shalt  }
0x50: {  	_ =	shalt  }
0x51: {  	_ =	shalt  }
0x52: {  	_ =	shalt  }
0x53: {  	_ =	shalt  }
0x54: {  	_ =	shalt  }
0x55: {  	_ =	shalt  }
0x56: {  	_ =	shalt  }
0x57: {  	_ =	shalt  }
0x58: {  	_ =	shalt  }
0x59: {  	_ =	shalt  }
0x5a: {  	_ =	shalt  }
0x5b: {  	_ =	shalt  }
0x5c: {  	_ =	shalt  }
0x5d: {  	_ =	shalt  }
0x5e: {  	_ =	shalt  }
0x5f: {  	_ =	shalt  }
0x60: {  	_ =	shalt  }
0x61: {  	_ =	shalt  }
0x62: {  	_ =	shalt  }
0x63: {  	_ =	shalt  }
0x64: {  	_ =	shalt  }
0x65: {  	_ =	shalt  }
0x66: {  	_ =	shalt  }
0x67: {  	_ =	shalt  }
0x68: {  	_ =	shalt  }
0x69: {  	_ =	shalt  }
0x6a: {  	_ =	shalt  }
0x6b: {  	_ =	shalt  }
0x6c: {  	_ =	shalt  }
0x6d: {  	_ =	shalt  }
0x6e: {  	_ =	shalt  }
0x6f: {  	_ =	shalt  }
0x70: {  	_ =	shalt  }
0x71: {  	_ =	shalt  }
0x72: {  	_ =	shalt  }
0x73: {  	_ =	shalt  }
0x74: {  	_ =	shalt  }
0x75: {  	_ =	shalt  }
0x76: {  	_ =	shalt  }
0x77: {  	_ =	shalt  }
0x78: {  	_ =	shalt  }
0x79: {  	_ =	shalt  }
0x7a: {  	_ =	shalt  }
0x7b: {  	_ =	shalt  }
0x7c: {  	_ =	shalt  }
0x7d: {  	_ =	shalt  }
0x7e: {  	_ =	shalt  }
0x7f: {  	_ =	shalt  }
0x80: {  	_ =	shalt  }
0x81: {  	_ =	shalt  }
0x82: {  	_ =	shalt  }
0x83: {  	_ =	shalt  }
0x84: {  	_ =	shalt  }
0x85: {  	_ =	shalt  }
0x86: {  	_ =	shalt  }
0x87: {  	_ =	shalt  }
.Lfunc_end0:
.L_simem_size_0:
called_computation_lowered:
.L_overlay_start_0:
0x88: {  	s2 =	sld [smem:$0x3FD9]  }
0x89: {  	s3 =	sld [smem:$0x3FFE];
	_ =	sdelay $0x1  }
0x8a: {  	s1 =	srdreg.scid  }
0x8b: {  	s0 =	sand.u32 $0x1, s1  }
0x8c: {  	s17 =	sshll.u32 s0, $0xA;
	s2 =	sadd.s32 s3, s2  }
0x8d: {  	s2 =	sadd.s32 s2, s17  }
0x8e: {  	[smem:$0x3FC5] =	sst s2  }
0x8f: {  	_ = 	snop  }
0x90: {  	s2 =	sld [smem:$0x3FC7]  }
0x91: {  	s18 =	sld [smem:$0x3FD0];
	(tm) =	ssettm $0x1  }
0x92: {  	s4 =	sld [smem:$0x3FFB];
	_ =	sdelay $0x3  }
0x93: {  	_ =	strace s4  }
0x94: {  	s4 =	sld [smem:$0x3FFC];
	_ =	sdelay $0x3  }
0x95: {  	_ =	strace s4  }
0x96: {  	s4 =	sld [smem:$0x3FFD];
	_ =	sdelay $0x3  }
0x97: {  	_ =	strace s4  }
0x98: {  	_ =	strace $0x8FFFFFFF  }
0x99: {  	s19 =	sld [smem:$0x3FDB];
	_ =	sdelay $0x1  }
0x9a: {  	s5 =	simm.s32 $_scs_section_size  }
0x9b: {  	s6 =	simm.s32 $_size__tile_overlayer_lowered;
	s7 =	simm.s32 $_tile_overlayer_lowered  }
0x9c: {  	s22 =	simm.s32 $0x1BFF;
	s21 =	sshll.u32 s7, $0x1;
	s4 =	sadd.s32 s5, s19  }
0x9d: {  	s8 =	simm.s32 $0x0;
	s20 =	sshll.u32 s6, $0x1;
	s6 =	sadd.s32 s21, s4  }
0x9e: {  	[timem:s8], [sflag:s22] =	dma.local [hbm:s6], s20  }
0x9f: {  	_ =	swait.ge [sflag:s22], s20  }
0xa0: {  	s5 =	ssub.s32 $0x0, s20;
	[sflag:s22] =	ssyncset.done $0x0  }
0xa1: {  	[sflag:s22] =	ssyncadd.s32 s5;
	_ =	sdelay $0x1  }
0xa2: {  	s23 =	simm.s32 $0x1B8B  }
0xa3: {  	_ =	swait.ge [sflag:s23], $0x1  }
0xa4: {  	[sflag:s23] =	ssyncset.done $0x0  }
0xa5: {  	s25 =	simm.s32 $0x1B8E;
	s24 =	sld [smem:$0x3FFE];
	[sflag:s23] =	ssyncadd.s32 $0xFFFFFFFF  }
0xa6: {  	s26 =	simm.s32 $execute0_lowered;
	[smem:$0x3FD2] =	sst s25  }
0xa7: {  	s6 =	sshll.u32 s26, $0x1;
	_ =	strace $0x80000046;
	[dreg:$0x1] =	wrdreg $0xFFFFFFFF  }
0xa8: {  	s28 =	simm.s32 $_size_execute0_lowered;
	s4 =	sadd.s32 s4, s6;
	[dreg:$0x0] =	wrdreg $0x0  }
0xa9: {  	s6 =	sshll.u32 s28, $0x1;
	[dreg:$0x2] =	wrdreg s4  }
0xaa: {  	[dreg:$0x3] =	wrdreg s6  }
0xab: {  	[dreg:$0x4] =	wrdreg $0xC0  }
0xac: {  	_ =	task [dreg:s8], $0x5FFFF  }
0xad: {  	[dreg:$0x1] =	wrdreg $0xFFFFFFFF  }
0xae: {  	[dreg:$0x0] =	wrdreg $0x60  }
0xaf: {  	[dreg:$0x2] =	wrdreg s24  }
0xb0: {  	[dreg:$0x3] =	wrdreg s2  }
0xb1: {  	[dreg:$0x4] =	wrdreg s18  }
0xb2: {  	[dreg:$0x5] =	wrdreg $0x9  }
0xb3: {  	_ =	task.clear_ibuf [dreg:s8], $0x6FFFF;
	_ =	strace $0x90000046  }
0xb4: {  	s29 =	simm.s32 $0x9;
	_ =	strace $0x80000048  }
0xb5: {  	_ =	swait.ge [sflag:s29], $0x1  }
0xb6: {  	[sflag:s29] =	ssyncadd.s32 $0xFFFFFFFF  }
0xb7: {  	_ =	strace $0x90000048  }
0xb8: {  	_ =	sfence  }
0xb9: {  	s30 =	sld [smem:$0x0];
	_ =	sdelay $0x2  }
0xba: {  	s31 =	sshll.u32 s1, $0xD;
	s1 =	sshrl.u32 s1, $0x2  }
0xbb: {  	s3 =	sand.u32 $0x4000, s31;
	s1 =	sadd.s32 s1, s30  }
0xbc: {  	s0 =	sor.u32 s3, s0;
	s1 =	sshll.u32 s1, $0x11  }
0xbd: {  	s0 =	sor.u32 s1, s0  }
0xbe: {  	s0 =	sadd.s32 $0x8F2B, s0  }
0xbf: {  	[sflag:s0] =	ssyncadd.remote.s32 $0x1  }
0xc0: {  	_ =	sfence.sel $0xFFFF  }
0xc1: {  	[dreg:$0x0] =	wrdreg $0xFFFFFFFF;
	(pc) =	sbr.abs _section_cstart, $3  }
0xc2: {  	[dreg:$0x1] =	wrdreg $0xFFFFFFFF  }
0xc3: {  	_ =	task.clear_ibuf [dreg:s8], $0x2FFFF;
	_ =	strace $0x9FFFFFFF  }
0xc4: {  	(tm) =	ssettm $0x7FFFFFFF  }
0xc5: {  	_ =	shalt  }
tec
execute0_lowered:
.L_overlay_start_1:
0x0: {  	(tag) =	ssettag $0x1  }
0x1: {  	s4 =	rddreg [dreg:$0x0]  }
0x2: {  	s2 =	rddreg [dreg:$0x1];
	s1 =	srdreg.scid  }
0x3: {  	s0 =	stileid.u32;
	s6 =	rddreg [dreg:$0x2]  }
0x4: {  	s3 =	simm.s32 $0x0;
	s10 =	simm.s32 $0x2;
	s11 =	simm.s32 $0x3  }
0x5: {  	s12 =	simm.s32 $0x9A00;
	s13 =	simm.s32 $0x4;
	s14 =	simm.s32 $0x0  }
0x6: {  	s5 =	sand.u32 $0x1, s1;
	s7 =	sshll.u32 s0, $0x1;
	s1 =	rddreg [dreg:$0x3]  }
0x7: {  	[smem:$0x7FF] =	sst s3;
	s7 =	sor.u32 s5, s7;
	s5 =	ssub.s32 $0x2, s5  }
0x8: {  	s8 =	smul.u32 $0x680, s7;
	s9 =	sshrl.u32 s5, $0x1;
	s7 =	sshll.u32 s7, $0x6  }
0x9: {  	_ =	strace $0x80000047;
	s9 =	ssub.s32 s5, s9;
	s6 =	sadd.s32 s6, s7  }
0xa: {  	s8 =	sadd.s32 s8, s4;
	s4 =	sadd.s32 $0xD200, s4;
	s7 =	smax.u32 s9, $0x1  }
0xb: {  	s9 =	simm.s32 $0x1;
	s5 =	sadd.s32 $0x200, s8;
	s8 =	simm.s32 $0x9C00  }
.LBB2_1:
0xc: {  	s15 =	simm.s32 $0x6600  }
0xd: {  	[tilespmem:s15], [sflag:$0x1] =	stream.linear.gather [hbm4b:s5+s3], $0x3400, $0x38;
	[tilespmem:$0x9C80] =	vst v63  }
0xe: {  	_ = 	snop  }
0xf: {  	[tilespmem:s3], [sflag:$0x2] =	stream.linear.gather [hbm4b:s4+s3], $0x6600, $0x38;
	[tilespmem:$0x9C80] =	vst v63  }
0x10: {  	_ = 	snop  }
0x11: {  	[tilespmem:s8], [sflag:$0x3] =	stream.linear.gather [hbm4b:s2+s3], $0x80, $0x38;
	[tilespmem:$0x9C80] =	vst v63  }
0x12: {  	_ =	swait.ge [sflag:s9], $0x3400  }
0x13: {  	[sflag:s9] =	ssyncset.done $0x0  }
0x14: {  	[sflag:s9] =	ssyncadd.s32 $0xFFFFCC00  }
0x15: {  	_ =	swait.ge [sflag:s10], $0x6600  }
0x16: {  	[sflag:s10] =	ssyncset.done $0x0  }
0x17: {  	[sflag:s10] =	ssyncadd.s32 $0xFFFF9A00  }
0x18: {  	_ =	swait.ge [sflag:s11], $0x80  }
0x19: {  	[sflag:s11] =	ssyncset.done $0x0  }
0x1a: {  	[sflag:s11] =	ssyncadd.s32 $0xFFFFFF80  }
0x1b: {  	s16 =	sand.u32 $0x1F0, s3;
	v0 =	vld.msk [tilespmem:s8+$0x0], $0xffff  }
0x1c: {  	v1 =	vld [tilespmem:s16+$0x9200]  }
0x1d: {  	v2 =	vld [tilespmem:s16+$0x9400]  }
0x1e: {  	v3 =	vld [tilespmem:s16+$0x9600]  }
0x1f: {  	v4 =	vld [tilespmem:s16+$0x9800]  }
0x20: {  	v5 =	vld [tilespmem:s16+$0x8A00]  }
0x21: {  	v6 =	vld [tilespmem:s16+$0x8C00]  }
0x22: {  	v7 =	vld [tilespmem:s16+$0x8E00]  }
0x23: {  	v8 =	vld [tilespmem:s16+$0x9000]  }
0x24: {  	v9 =	vld [tilespmem:s16+$0x8200]  }
0x25: {  	v10 =	vld [tilespmem:s16+$0x8400]  }
0x26: {  	v11 =	vld [tilespmem:s16+$0x8600]  }
0x27: {  	v12 =	vld [tilespmem:s16+$0x8800]  }
0x28: {  	v13 =	vld [tilespmem:s16+$0x7A00]  }
0x29: {  	v14 =	vld [tilespmem:s16+$0x7C00]  }
0x2a: {  	v15 =	vld [tilespmem:s16+$0x7E00]  }
0x2b: {  	v16 =	vld [tilespmem:s16+$0x8000]  }
0x2c: {  	v17 =	vld [tilespmem:s16+$0x7200]  }
0x2d: {  	v18 =	vld [tilespmem:s16+$0x7400]  }
0x2e: {  	v19 =	vld [tilespmem:s16+$0x7600]  }
0x2f: {  	v20 =	vld [tilespmem:s16+$0x7800]  }
0x30: {  	v21 =	vld [tilespmem:s15+$0x0]  }
0x31: {  	v22 =	vld [tilespmem:s16+$0x6A00]  }
0x32: {  	v23 =	vld [tilespmem:s16+$0x6C00]  }
0x33: {  	v24 =	vld [tilespmem:s16+$0x6E00]  }
0x34: {  	s31 =	simm.s32 $0x10;
	v25 =	vld [tilespmem:s16+$0x7000]  }
0x35: {  	v26 =	vld [tilespmem:s16+$0x6800];
	s15 =	sand.u32 $0x1F0, s31  }
0x36: {  	v34 =	vld [tilespmem:s15+$0x9200]  }
0x37: {  	v35 =	vld [tilespmem:s15+$0x9400]  }
0x38: {  	v36 =	vld [tilespmem:s15+$0x8A00]  }
0x39: {  	v37 =	vld [tilespmem:s15+$0x8C00];
	v1 =	vadd.s32 $0x55F0, v1  }
0x3a: {  	v38 =	vld [tilespmem:s15+$0x8200];
	v2 =	vadd.s32 $0x59D8, v2  }
0x3b: {  	v39 =	vld [tilespmem:s15+$0x8400];
	v5 =	vadd.s32 $0x4650, v5  }
0x3c: {  	v40 =	vld [tilespmem:s15+$0x7A00];
	v6 =	vadd.s32 $0x4A38, v6  }
0x3d: {  	v41 =	vld [tilespmem:s15+$0x7C00];
	v9 =	vadd.s32 $0x36B0, v9  }
0x3e: {  	v10 =	vadd.s32 $0x3A98, v10;
	v27 =	vld.idx.msk [tilespmem:v1+s3+$0x0], $0xffff  }
0x3f: {  	v19 =	vadd.s32 $0x1F40, v19;
	v28 =	vld.idx.msk [tilespmem:v2+s3+$0x0], $0xffff  }
0x40: {  	v15 =	vadd.s32 $0x2EE0, v15;
	v5 =	vld.idx.msk [tilespmem:v5+s3+$0x0], $0xffff  }
0x41: {  	v11 =	vadd.s32 $0x3E80, v11;
	v6 =	vld.idx.msk [tilespmem:v6+s3+$0x0], $0xffff  }
0x42: {  	v1 =	vadd.s32 $0x2710, v13;
	v9 =	vld.idx.msk [tilespmem:v9+s3+$0x0], $0xffff  }
0x43: {  	v2 =	vadd.s32 $0x2AF8, v14;
	v14 =	vadd.s32 $0x1B58, v18;
	v18 =	vld.idx.msk [tilespmem:v10+s3+$0x0], $0xffff  }
0x44: {  	v13 =	vadd.s32 $0x1770, v17;
	v19 =	vld.idx.msk [tilespmem:v19+s3+$0x0], $0xffff  }
0x45: {  	v17 =	vadd.s32 $0x7D0, v22;
	v15 =	vld.idx.msk [tilespmem:v15+s3+$0x0], $0xffff  }
0x46: {  	v10 =	vadd.s32 $0xBB8, v23;
	v29 =	vld.idx.msk [tilespmem:v11+s3+$0x0], $0xffff  }
0x47: {  	v22 =	vld.idx.msk [tilespmem:v1+s3+$0x0], $0xffff  }
0x48: {  	v1 =	vadd.s32 $0x3E8, v26;
	v23 =	vld.idx.msk [tilespmem:v2+s3+$0x0], $0xffff  }
0x49: {  	v13 =	vld.idx.msk [tilespmem:v13+s3+$0x0], $0xffff  }
0x4a: {  	v2 =	vadd.s32 $0xFA0, v24;
	v17 =	vld.idx.msk [tilespmem:v17+s3+$0x0], $0xffff  }
0x4b: {  	v12 =	vadd.s32 $0x4268, v12;
	v10 =	vld.idx.msk [tilespmem:v10+s3+$0x0], $0xffff  }
0x4c: {  	v14 =	vld.idx.msk [tilespmem:v14+s3+$0x0], $0xffff;
	v24 =	vadd.s32 $0x1388, v25  }
0x4d: {  	v25 =	vld.idx.msk [tilespmem:v1+s3+$0x0], $0xffff  }
0x4e: {  	v1 =	vadd.s32 $0x2328, v20;
	v20 =	vld.idx.msk [tilespmem:v21+s3+$0x0], $0xffff  }
0x4f: {  	v21 =	vld.idx.msk [tilespmem:v2+s3+$0x0], $0xffff;
	v2 =	vadd.s32 $0x32C8, v16  }
0x50: {  	v12 =	vld.idx.msk [tilespmem:v12+s3+$0x0], $0xffff;
	v17 =	vadd.f32 $0.0e+00, v17;
	v10 =	vadd.f32 $0.0e+00, v10  }
0x51: {  	v16 =	vld.idx.msk [tilespmem:v24+s3+$0x0], $0xffff  }
0x52: {  	v13 =	vadd.f32 v13, v17;
	v14 =	vadd.f32 v14, v10;
	v10 =	vld [tilespmem:s15+$0x7E00]  }
0x53: {  	v24 =	vld.idx.msk [tilespmem:v1+s3+$0x0], $0xffff  }
0x54: {  	v13 =	vadd.f32 v22, v13;
	v14 =	vadd.f32 v23, v14;
	v26 =	vld.idx.msk [tilespmem:v2+s3+$0x0], $0xffff;
	v2 =	vadd.s32 $0x5DC0, v3  }
0x55: {  	v3 =	vadd.s32 $0x61A8, v4;
	v4 =	vld [tilespmem:s15+$0x8E00];
	v11 =	vadd.f32 v20, v0;
	v20 =	vadd.f32 $0.0e+00, v25  }
0x56: {  	v1 =	vadd.s32 $0x4E20, v7;
	v7 =	vadd.s32 $0x5208, v8;
	v8 =	vld [tilespmem:s15+$0x8800];
	v9 =	vadd.f32 v9, v13  }
0x57: {  	v13 =	vadd.f32 v18, v14;
	v16 =	vadd.f32 v16, v20;
	v20 =	vld [tilespmem:s15+$0x6C00]  }
0x58: {  	v11 =	vadd.f32 v21, v11;
	v21 =	vld [tilespmem:s15+$0x6800]  }
0x59: {  	v6 =	vadd.f32 v6, v13;
	v13 =	vld [tilespmem:s15+$0x7800]  }
0x5a: {  	v17 =	vadd.f32 v19, v11;
	v11 =	vld [tilespmem:s15+$0x8000]  }
0x5b: {  	v30 =	vld.idx.msk [tilespmem:v1+s3+$0x0], $0xffff  }
0x5c: {  	v31 =	vld.idx.msk [tilespmem:v7+s3+$0x0], $0xffff  }
0x5d: {  	v32 =	vld.idx.msk [tilespmem:v2+s3+$0x0], $0xffff  }
0x5e: {  	v33 =	vld.idx.msk [tilespmem:v3+s3+$0x0], $0xffff;
	v16 =	vadd.f32 v24, v16  }
0x5f: {  	v2 =	vld [tilespmem:s15+$0x9600]  }
0x60: {  	v23 =	vadd.s32 $0x59D8, v35;
	v1 =	vld [tilespmem:s15+$0x9800];
	v17 =	vadd.f32 v15, v17;
	v19 =	vadd.f32 v26, v16  }
0x61: {  	v5 =	vadd.f32 v5, v9;
	v3 =	vld [tilespmem:s15+$0x9000]  }
0x62: {  	v7 =	vld [tilespmem:s15+$0x8600];
	v14 =	vadd.f32 v29, v17;
	v17 =	vadd.f32 v12, v19  }
0x63: {  	v5 =	vadd.f32 v27, v5;
	v6 =	vadd.f32 v28, v6;
	v15 =	vld [tilespmem:s15+$0x7200]  }
0x64: {  	v16 =	vld [tilespmem:s15+$0x7400];
	v9 =	vadd.f32 v30, v14;
	v17 =	vadd.f32 v31, v17  }
0x65: {  	v5 =	vadd.f32 v6, v5;
	v6 =	vld.idx.msk [tilespmem:v23+s3+$0x0], $0xffff  }
0x66: {  	v22 =	vadd.s32 $0x55F0, v34;
	v12 =	vld [tilespmem:s15+$0x7600];
	v9 =	vadd.f32 v32, v9;
	v18 =	vadd.f32 v33, v17  }
0x67: {  	s16 =	simm.s32 $0x6610;
	v27 =	vadd.s32 $0x4650, v36;
	v19 =	vld [tilespmem:s15+$0x6A00]  }
0x68: {  	v26 =	vadd.s32 $0x4A38, v37;
	v14 =	vld [tilespmem:s16+$0x0];
	v9 =	vadd.f32 v18, v9  }
0x69: {  	v24 =	vadd.s32 $0x36B0, v38;
	v17 =	vld [tilespmem:s15+$0x6E00]  }
0x6a: {  	v25 =	vadd.s32 $0x3A98, v39;
	v18 =	vld [tilespmem:s15+$0x7000];
	v9 =	vadd.f32 v9, v5  }
0x6b: {  	v23 =	vadd.s32 $0x2710, v40;
	v5 =	vld.idx.msk [tilespmem:v22+s3+$0x0], $0xffff  }
0x6c: {  	s17 =	simm.s32 $0x20;
	s15 =	simm.s32 $0x9A00;
	v22 =	vadd.s32 $0x2AF8, v41;
	[tilespmem:s12+$0x0] =	vst v9;
	v9 =	vld.idx.msk [tilespmem:v27+s3+$0x0], $0xffff  }
.LBB2_2:
0x6d: {  	p0 =	sne.s32 s17, $0x1F0;
	v15 =	vadd.s32 $0x1770, v15;
	v26 =	vld.idx.msk [tilespmem:v26+s3+$0x0], $0xffff  }
0x6e: {  	v16 =	vadd.s32 $0x1B58, v16;
	v24 =	vld.idx.msk [tilespmem:v24+s3+$0x0], $0xffff  }
0x6f: {  	v19 =	vadd.s32 $0x7D0, v19;
	v25 =	vld.idx.msk [tilespmem:v25+s3+$0x0], $0xffff  }
0x70: {  	v20 =	vadd.s32 $0xBB8, v20;
	v23 =	vld.idx.msk [tilespmem:v23+s3+$0x0], $0xffff  }
0x71: {  	v21 =	vadd.s32 $0x3E8, v21;
	v22 =	vld.idx.msk [tilespmem:v22+s3+$0x0], $0xffff  }
0x72: {  	v15 =	vld.idx.msk [tilespmem:v15+s3+$0x0], $0xffff  }
0x73: {  	v17 =	vadd.s32 $0xFA0, v17;
	v16 =	vld.idx.msk [tilespmem:v16+s3+$0x0], $0xffff  }
0x74: {  	v18 =	vadd.s32 $0x1388, v18;
	v19 =	vld.idx.msk [tilespmem:v19+s3+$0x0], $0xffff  }
0x75: {  	v12 =	vadd.s32 $0x1F40, v12;
	v20 =	vld.idx.msk [tilespmem:v20+s3+$0x0], $0xffff  }
0x76: {  	v13 =	vadd.s32 $0x2328, v13;
	v21 =	vld.idx.msk [tilespmem:v21+s3+$0x0], $0xffff  }
0x77: {  	v10 =	vadd.s32 $0x2EE0, v10;
	v14 =	vld.idx.msk [tilespmem:v14+s3+$0x0], $0xffff  }
0x78: {  	v11 =	vadd.s32 $0x32C8, v11;
	v17 =	vld.idx.msk [tilespmem:v17+s3+$0x0], $0xffff  }
0x79: {  	v7 =	vadd.s32 $0x3E80, v7;
	v18 =	vld.idx.msk [tilespmem:v18+s3+$0x0], $0xffff  }
0x7a: {  	v8 =	vadd.s32 $0x4268, v8;
	v12 =	vld.idx.msk [tilespmem:v12+s3+$0x0], $0xffff  }
0x7b: {  	v4 =	vadd.s32 $0x4E20, v4;
	v13 =	vld.idx.msk [tilespmem:v13+s3+$0x0], $0xffff  }
0x7c: {  	v3 =	vadd.s32 $0x5208, v3;
	v10 =	vld.idx.msk [tilespmem:v10+s3+$0x0], $0xffff  }
0x7d: {  	v2 =	vadd.s32 $0x5DC0, v2;
	v21 =	vadd.f32 $0.0e+00, v21;
	v14 =	vadd.f32 v14, v0;
	v11 =	vld.idx.msk [tilespmem:v11+s3+$0x0], $0xffff  }
0x7e: {  	v1 =	vadd.s32 $0x61A8, v1;
	v19 =	vadd.f32 $0.0e+00, v19;
	v20 =	vadd.f32 $0.0e+00, v20;
	v7 =	vld.idx.msk [tilespmem:v7+s3+$0x0], $0xffff  }
0x7f: {  	v14 =	vadd.f32 v17, v14;
	v17 =	vadd.f32 v18, v21;
	v8 =	vld.idx.msk [tilespmem:v8+s3+$0x0], $0xffff  }
0x80: {  	v15 =	vadd.f32 v15, v19;
	v16 =	vadd.f32 v16, v20;
	v4 =	vld.idx.msk [tilespmem:v4+s3+$0x0], $0xffff  }
0x81: {  	v12 =	vadd.f32 v12, v14;
	v13 =	vadd.f32 v13, v17;
	v3 =	vld.idx.msk [tilespmem:v3+s3+$0x0], $0xffff  }
0x82: {  	v14 =	vadd.f32 v23, v15;
	v15 =	vadd.f32 v22, v16;
	v16 =	vld.idx.msk [tilespmem:v2+s3+$0x0], $0xffff  }
0x83: {  	s18 =	sand.u32 $0x1F0, s17;
	v2 =	vadd.f32 v10, v12;
	v10 =	vadd.f32 v11, v13;
	v11 =	vld.idx.msk [tilespmem:v1+s3+$0x0], $0xffff  }
0x84: {  	v12 =	vadd.f32 v25, v15;
	v1 =	vadd.f32 v24, v14;
	v17 =	vld [tilespmem:s18+$0x9200]  }
0x85: {  	v7 =	vadd.f32 v7, v2;
	v8 =	vadd.f32 v8, v10;
	v18 =	vld [tilespmem:s18+$0x9400]  }
0x86: {  	v10 =	vadd.f32 v26, v12;
	v9 =	vadd.f32 v9, v1;
	v2 =	vld [tilespmem:s18+$0x9600]  }
0x87: {  	v4 =	vadd.f32 v4, v7;
	v3 =	vadd.f32 v3, v8;
	v1 =	vld [tilespmem:s18+$0x9800]  }
0x88: {  	v6 =	vadd.f32 v6, v10;
	v5 =	vadd.f32 v5, v9;
	v21 =	vld [tilespmem:s18+$0x8A00]  }
0x89: {  	v7 =	vadd.f32 v16, v4;
	v8 =	vadd.f32 v11, v3;
	v9 =	vld [tilespmem:s18+$0x8C00]  }
0x8a: {  	v4 =	vld [tilespmem:s18+$0x8E00]  }
0x8b: {  	v5 =	vadd.f32 v6, v5;
	v7 =	vadd.f32 v8, v7;
	v3 =	vld [tilespmem:s18+$0x9000]  }
0x8c: {  	v6 =	vld [tilespmem:s18+$0x8200]  }
0x8d: {  	v5 =	vadd.f32 v7, v5;
	v22 =	vld [tilespmem:s18+$0x8400]  }
0x8e: {  	s15 =	sadd.s32 $0x10, s15;
	v7 =	vld [tilespmem:s18+$0x8600]  }
0x8f: {  	v8 =	vld [tilespmem:s18+$0x8800];
	[tilespmem:s15+$0x0] =	vst v5  }
0x90: {  	v23 =	vld [tilespmem:s18+$0x7A00]  }
0x91: {  	v27 =	vld [tilespmem:s18+$0x7C00]  }
0x92: {  	v10 =	vld [tilespmem:s18+$0x7E00]  }
0x93: {  	v11 =	vld [tilespmem:s18+$0x8000]  }
0x94: {  	v15 =	vld [tilespmem:s18+$0x7200]  }
0x95: {  	v16 =	vld [tilespmem:s18+$0x7400]  }
0x96: {  	v12 =	vld [tilespmem:s18+$0x7600]  }
0x97: {  	s16 =	sadd.s32 $0x10, s16;
	v13 =	vld [tilespmem:s18+$0x7800]  }
0x98: {  	v14 =	vld [tilespmem:s16+$0x0]  }
0x99: {  	v5 =	vadd.s32 $0x55F0, v17;
	v19 =	vld [tilespmem:s18+$0x6A00]  }
0x9a: {  	v28 =	vadd.s32 $0x59D8, v18;
	v20 =	vld [tilespmem:s18+$0x6C00]  }
0x9b: {  	v29 =	vadd.s32 $0x4650, v21;
	v17 =	vld [tilespmem:s18+$0x6E00]  }
.Ltmp0:
0x9c: {  	v26 =	vadd.s32 $0x4A38, v9;
	v18 =	vld [tilespmem:s18+$0x7000];
	(pc) =	sbr.rel @p0 .LBB2_2-.Ltmp0, $4  }
0x9d: {  	v24 =	vadd.s32 $0x36B0, v6;
	v21 =	vld [tilespmem:s18+$0x6800]  }
0x9e: {  	v25 =	vadd.s32 $0x3A98, v22;
	v5 =	vld.idx.msk [tilespmem:v5+s3+$0x0], $0xffff  }
0x9f: {  	v23 =	vadd.s32 $0x2710, v23;
	v6 =	vld.idx.msk [tilespmem:v28+s3+$0x0], $0xffff  }
0xa0: {  	s17 =	sadd.s32 $0x10, s17;
	v22 =	vadd.s32 $0x2AF8, v27;
	v9 =	vld.idx.msk [tilespmem:v29+s3+$0x0], $0xffff  }
0xa1: {  	_ =	sdelay $0x3  }
0xa2: {  	v26 =	vld.idx.msk [tilespmem:v26+s3+$0x0], $0xffff  }
0xa3: {  	v15 =	vadd.s32 $0x1770, v15;
	v24 =	vld.idx.msk [tilespmem:v24+s3+$0x0], $0xffff  }
0xa4: {  	v16 =	vadd.s32 $0x1B58, v16;
	v25 =	vld.idx.msk [tilespmem:v25+s3+$0x0], $0xffff  }
0xa5: {  	v19 =	vadd.s32 $0x7D0, v19;
	v23 =	vld.idx.msk [tilespmem:v23+s3+$0x0], $0xffff  }
0xa6: {  	v20 =	vadd.s32 $0xBB8, v20;
	v22 =	vld.idx.msk [tilespmem:v22+s3+$0x0], $0xffff  }
0xa7: {  	v14 =	vld.idx.msk [tilespmem:v14+s3+$0x0], $0xffff;
	v21 =	vadd.s32 $0x3E8, v21  }
0xa8: {  	v17 =	vadd.s32 $0xFA0, v17;
	v15 =	vld.idx.msk [tilespmem:v15+s3+$0x0], $0xffff  }
0xa9: {  	v18 =	vadd.s32 $0x1388, v18;
	v16 =	vld.idx.msk [tilespmem:v16+s3+$0x0], $0xffff  }
0xaa: {  	v12 =	vadd.s32 $0x1F40, v12;
	v19 =	vld.idx.msk [tilespmem:v19+s3+$0x0], $0xffff  }
0xab: {  	v13 =	vadd.s32 $0x2328, v13;
	v20 =	vld.idx.msk [tilespmem:v20+s3+$0x0], $0xffff  }
0xac: {  	v10 =	vadd.s32 $0x2EE0, v10;
	v21 =	vld.idx.msk [tilespmem:v21+s3+$0x0], $0xffff  }
0xad: {  	v11 =	vadd.s32 $0x32C8, v11;
	v17 =	vld.idx.msk [tilespmem:v17+s3+$0x0], $0xffff  }
0xae: {  	v7 =	vadd.s32 $0x3E80, v7;
	v18 =	vld.idx.msk [tilespmem:v18+s3+$0x0], $0xffff  }
0xaf: {  	v8 =	vadd.s32 $0x4268, v8;
	v12 =	vld.idx.msk [tilespmem:v12+s3+$0x0], $0xffff  }
0xb0: {  	v4 =	vadd.s32 $0x4E20, v4;
	v13 =	vld.idx.msk [tilespmem:v13+s3+$0x0], $0xffff  }
0xb1: {  	v3 =	vadd.s32 $0x5208, v3;
	v10 =	vld.idx.msk [tilespmem:v10+s3+$0x0], $0xffff;
	v0 =	vadd.f32 v14, v0;
	v51 =	vadd.f32 $0.0e+00, v21  }
0xb2: {  	v2 =	vadd.s32 $0x5DC0, v2;
	v11 =	vld.idx.msk [tilespmem:v11+s3+$0x0], $0xffff;
	v19 =	vadd.f32 $0.0e+00, v19;
	v20 =	vadd.f32 $0.0e+00, v20  }
0xb3: {  	v1 =	vadd.s32 $0x61A8, v1;
	v7 =	vld.idx.msk [tilespmem:v7+s3+$0x0], $0xffff;
	v0 =	vadd.f32 v17, v0;
	v14 =	vadd.f32 v18, v51  }
0xb4: {  	v8 =	vld.idx.msk [tilespmem:v8+s3+$0x0], $0xffff;
	v15 =	vadd.f32 v15, v19;
	v16 =	vadd.f32 v16, v20  }
0xb5: {  	v4 =	vld.idx.msk [tilespmem:v4+s3+$0x0], $0xffff;
	v0 =	vadd.f32 v12, v0;
	v52 =	vadd.f32 v13, v14  }
0xb6: {  	v3 =	vld.idx.msk [tilespmem:v3+s3+$0x0], $0xffff;
	v53 =	vadd.f32 v23, v15;
	v54 =	vadd.f32 v22, v16  }
0xb7: {  	v2 =	vld.idx.msk [tilespmem:v2+s3+$0x0], $0xffff;
	v0 =	vadd.f32 v10, v0;
	v55 =	vadd.f32 v11, v52  }
0xb8: {  	v1 =	vld.idx.msk [tilespmem:v1+s3+$0x0], $0xffff;
	v56 =	vadd.f32 v24, v53;
	v57 =	vadd.f32 v25, v54  }
0xb9: {  	v0 =	vadd.f32 v7, v0;
	v58 =	vadd.f32 v8, v55  }
0xba: {  	v59 =	vadd.f32 v9, v56;
	v60 =	vadd.f32 v26, v57  }
0xbb: {  	v0 =	vadd.f32 v4, v0;
	v3 =	vadd.f32 v3, v58  }
0xbc: {  	v61 =	vadd.f32 v5, v59;
	v62 =	vadd.f32 v6, v60  }
0xbd: {  	v0 =	vadd.f32 v2, v0;
	v1 =	vadd.f32 v1, v3;
	_ =	sdelay $0x1  }
0xbe: {  	v63 =	vadd.f32 v62, v61;
	v0 =	vadd.f32 v1, v0;
	_ =	sdelay $0x1  }
0xbf: {  	s14 =	sadd.s32 $0x1, s14;
	v0 =	vadd.f32 v0, v63  }
0xc0: {  	s15 =	sadd.s32 $0x10, s15;
	p0 =	sne.s32 s14, s7  }
.Ltmp1:
0xc1: {  	[tilespmem:s15+$0x0] =	vst v0;
	(pc) =	sbr.rel @p0 .LBB2_1-.Ltmp1, $4  }
0xc2: {  	[hbm4b:s6+s3] =	stream.linear.scatter [tilespmem:s12], [sflag:$0x4], $0x200, $0x38;
	[tilespmem:$0x9C80] =	vst v63  }
0xc3: {  	_ =	swait.ge [sflag:s13], $0x200  }
0xc4: {  	[sflag:s13] =	ssyncset.done $0x0  }
0xc5: {  	[sflag:s13] =	ssyncadd.s32 $0xFFFFFE00  }
0xc6: {  	_ =	sfence.sel $0x180000  }
0xc7: {  	[bflag:$0x0] =	sbarrier.arrive $0xFFFF  }
0xc8: {  	p0 =	sne.s32 s0, $0x0;
	_ =	strace $0x90000047  }
0xc9: {  	s0 =	sadd.s32 @!p0 $0x100000, s1;
	[bflag:$0x2] =	sbarrier.arrive $0xFFFF  }
0xca: {  	[sflag:s0] =	ssyncadd.tile.s32 @!p0 $0x1;
	_ =	shalt  }
.Lfunc_end2:
_tile_overlayer_lowered:
.L_overlay_start_2:
0xcb: {  	(tag) =	ssettag $0x2  }
0xcc: {  	s0 =	rddreg [dreg:$0x0];
	s2 =	stileid.u32  }
0xcd: {  	s1 =	rddreg [dreg:$0x1];
	p0 =	sne.s32 s2, $0x0  }
0xce: {  	s3 =	rddreg [dreg:$0x2];
	[bflag:$0x3] =	sbarrier.arrive $0xFFFF;
	s2 =	simm.s32 @!p0 $0x1C04  }
0xcf: {  	[timem:s3], [sflag:s2] =	dma.local @!p0 [hbm:s0], s1  }
0xd0: {  	s0 =	simm.s32 @!p0 $0x4  }
0xd1: {  	_ =	swait.ge @!p0 [sflag:s0], s1  }
0xd2: {  	s1 =	ssub.s32 @!p0 $0x0, s1;
	[sflag:s0] =	ssyncset.done @!p0 $0x0  }
0xd3: {  	[sflag:s0] =	ssyncadd.s32 @!p0 s1  }
0xd4: {  	[bflag:$0x3] =	sbarrier.arrive $0xFFFF  }
0xd5: {  	_ =	shalt  }

</sc_bundles>
